<compile_context>
chip_gen: v7x
topology: tpu7x:2x2x1
jax: 0.10.2.dev20260603
libtpu: 0.0.44.dev20260713+nightly
codegen_flags: <defaults>
</compile_context>

<pallas_src>
import functools

import jax
from jax import lax
import jax.numpy as jnp
from jax.experimental import pallas as pl
from jax.experimental.pallas import tpu as pltpu
from jax.experimental.pallas import tpu_sc as plsc

_CHUNK = 128
_NBUF = 8
_AHEAD = 4
_NW = 32


@functools.cache
def _build(num_indices: int, out_rows: int, dim: int, dtype):
    mesh = plsc.VectorSubcoreMesh(core_axis_name="core",
                                  subcore_axis_name="subcore")
    per_w = num_indices // _NW
    nchunks = per_w // _CHUNK

    @functools.partial(
        pl.kernel,
        out_type=jax.ShapeDtypeStruct((out_rows, dim), dtype),
        scratch_types=[
            pltpu.VMEM((1, per_w), jnp.int32),
            pltpu.VMEM((1, per_w), jnp.int32),
            pltpu.VMEM((_NBUF * _CHUNK, dim), dtype),
            pltpu.SemaphoreType.DMA,
            pltpu.SemaphoreType.DMA,
        ],
        mesh=mesh,
        compiler_params=pltpu.CompilerParams(use_tc_tiling_on_sc=False),
    )
    def gather_kernel(w_hbm, i_hbm, r_hbm, o_hbm, idx_v, ridx_v, rows_v,
                      sem_g, sem_s):
        wid = lax.axis_index("subcore") * 2 + lax.axis_index("core")
        base = wid * per_w

        pltpu.sync_copy(i_hbm.at[0, pl.ds(base, per_w)], idx_v.at[0])
        pltpu.sync_copy(r_hbm.at[0, pl.ds(base, per_w)], ridx_v.at[0])

        def gather(c):
            slot = lax.rem(c, _NBUF)
            return pltpu.make_async_copy(
                w_hbm.at[idx_v.at[0, pl.ds(c * _CHUNK, _CHUNK)]],
                rows_v.at[pl.ds(slot * _CHUNK, _CHUNK)], sem_g)

        def scatter(c):
            slot = lax.rem(c, _NBUF)
            return pltpu.make_async_copy(
                rows_v.at[pl.ds(slot * _CHUNK, _CHUNK)],
                o_hbm.at[ridx_v.at[0, pl.ds(c * _CHUNK, _CHUNK)]], sem_s)

        for c in range(_AHEAD):
            gather(c).start()

        @pl.loop(0, nchunks)
        def _(c):
            gather(c).wait()
            scatter(c).start()

            @pl.when(c >= _AHEAD)
            def _():
                scatter(c - _AHEAD).wait()

            @pl.when(c < nchunks - _AHEAD)
            def _():
                gather(c + _AHEAD).start()

        @pl.loop(nchunks - _AHEAD, nchunks)
        def _(c):
            scatter(c).wait()

    return gather_kernel


_TBLK = 32768


@functools.cache
def _build_transpose(vocab: int, dim: int, dtype):
    lanes = 128 // dim
    blk_out = _TBLK // lanes
    grid = (vocab + _TBLK - 1) // _TBLK
    rows_out = grid * blk_out

    def tbody(i_ref, o_ref):
        x = i_ref[...]
        for q in range(lanes):
            o_ref[:, 32 * q:32 * (q + 1)] = x[:, blk_out * q:blk_out * (q + 1)].T

    return pl.pallas_call(
        tbody,
        grid=(grid,),
        in_specs=[pl.BlockSpec((dim, _TBLK), lambda c: (0, c))],
        out_specs=pl.BlockSpec((blk_out, 128), lambda c: (c, 0)),
        out_shape=jax.ShapeDtypeStruct((rows_out, 128), dtype),
        compiler_params=pltpu.CompilerParams(
            dimension_semantics=("arbitrary",)),
    )


def kernel(x, W):
    b, s = x.shape
    num_indices = b * s
    dim = W.shape[1]
    lanes = 128 // dim
    s_pad = (s + 7) // 8 * 8
    out_rows = b * s_pad * lanes

    v = x.reshape(1, num_indices).astype(jnp.int32)
    blk_out = _TBLK // lanes
    idx = (lanes * (blk_out * (v // _TBLK) + v % blk_out)
           + (v % _TBLK) // blk_out)
    t = jnp.arange(num_indices, dtype=jnp.int32)
    ridx = (((t // s) * s_pad + t % s) * lanes).reshape(1, num_indices)

    vocab = W.shape[0]
    w128 = _build_transpose(vocab, dim, W.dtype)(W.T)
    w_lin = w128.reshape(w128.shape[0] * lanes, dim)
    out = _build(num_indices, out_rows, dim, W.dtype)(w_lin, idx, ridx)
    out = out.reshape(b, s_pad, lanes * dim)[:, :s, :dim]
    return out

# --- scband reference (transcript-rebuilt; emitter-appended) ---
"""Pipeline reference for scband-embed-455266534063 (READ-ONLY COPY).

The authoritative reference and input builder live on the scoring server;
editing this copy changes nothing except your own understanding.
"""

import jax, jax.numpy as jnp
import numpy as np

VOCAB = 1000000
EMBED = 32

def setup_inputs(seed: int = 0) -> dict:
    key = jax.random.key(seed)
    k_idx, k_w = jax.random.split(key)
    x = jax.random.randint(k_idx, (16384, 26), 0, VOCAB, dtype=jnp.int64 if jax.config.jax_enable_x64 else jnp.int32)
    W = jax.random.normal(k_w, (VOCAB, EMBED), dtype=jnp.float32) * 0.02
    return {"x": x, "W": W}

def reference(x, W):
    # Faithful translation of: return self.W[x]
    return jnp.take(W, x, axis=0)

if __name__ == "__main__":
    import jax
    _d = setup_inputs()
    print(jax.jit(kernel)(*tuple(_d.values())))

</pallas_src>

<mosaic_0001>
#map = affine_map<(d0, d1) -> (0, 0)>
module attributes {stable_mosaic.version = 14 : i64} {
  func.func @gather_kernel(%arg0: i32, %arg1: i32, %arg2: memref<1015808x32xf32, #tpu.memory_space<hbm>>, %arg3: memref<1x425984xi32, #tpu.memory_space<hbm>>, %arg4: memref<1x425984xi32, #tpu.memory_space<hbm>>, %arg5: memref<2097152x32xf32, #tpu.memory_space<hbm>>, %arg6: memref<1x13312xi32, #tpu.memory_space<vmem>>, %arg7: memref<1x13312xi32, #tpu.memory_space<vmem>>, %arg8: memref<1024x32xf32, #tpu.memory_space<vmem>>, %arg9: memref<!tpu.dma_semaphore, #tpu.memory_space<semaphore_mem>>, %arg10: memref<!tpu.dma_semaphore, #tpu.memory_space<semaphore_mem>>) attributes {dimension_semantics = [#tpu.dimension_semantics<core_parallel>, #tpu.dimension_semantics<subcore_parallel>], iteration_bounds = array<i64: 2, 16>, scalar_prefetch = 0 : i64, scratch_operands = 5 : i64, tpu.core_type = #tpu.core_type<sc_vector_subcore>, window_params = [{transform_indices = #map}, {transform_indices = #map}, {transform_indices = #map}, {transform_indices = #map}]} {
    %mul3A = arith.constant 2 : i32
    %mul3A_0 = arith.muli %arg1, %mul3A : i32
    %add3A = arith.addi %mul3A_0, %arg0 : i32
    %mul3A_1 = arith.constant 13312 : i32
    %mul3A_2 = arith.muli %add3A, %mul3A_1 : i32
    %run_scoped3A = arith.constant 0 : i32
    %run_scoped3A_3 = arith.constant 0 : i32
    "tpu.region"() ({
      %run_scoped3A_69 = tpu.sem_alloc : memref<!tpu.dma_semaphore, #tpu.memory_space<semaphore_mem>>
      %dma_start3A_70 = arith.constant 0 : i32
      %dma_start3A_71 = tpu.memref_slice %arg6[%run_scoped3A_3, %dma_start3A_70] : memref<1x13312xi32, #tpu.memory_space<vmem>> -> memref<1x13312xi32, #tpu.memory_space<vmem>>
      %dma_start3A_72 = tpu.memref_squeeze %dma_start3A_71 : memref<1x13312xi32, #tpu.memory_space<vmem>> -> memref<13312xi32, #tpu.memory_space<vmem>>
      %dma_start3A_73 = tpu.memref_slice %arg3[%run_scoped3A, %mul3A_2] : memref<1x425984xi32, #tpu.memory_space<hbm>> -> memref<1x13312xi32, #tpu.memory_space<hbm>>
      %dma_start3A_74 = tpu.memref_squeeze %dma_start3A_73 : memref<1x13312xi32, #tpu.memory_space<hbm>> -> memref<13312xi32, #tpu.memory_space<hbm>>
      %dma_start3A_75 = arith.constant 0 : i32
      %dma_start3A_76 = tpu.memref_slice %arg6[%run_scoped3A_3, %dma_start3A_75] : memref<1x13312xi32, #tpu.memory_space<vmem>> -> memref<1x13312xi32, #tpu.memory_space<vmem>>
      %dma_start3A_77 = tpu.memref_squeeze %dma_start3A_76 : memref<1x13312xi32, #tpu.memory_space<vmem>> -> memref<13312xi32, #tpu.memory_space<vmem>>
      %dma_start3A_78 = tpu.memref_slice %arg3[%run_scoped3A, %mul3A_2] : memref<1x425984xi32, #tpu.memory_space<hbm>> -> memref<1x13312xi32, #tpu.memory_space<hbm>>
      %dma_start3A_79 = tpu.memref_squeeze %dma_start3A_78 : memref<1x13312xi32, #tpu.memory_space<hbm>> -> memref<13312xi32, #tpu.memory_space<hbm>>
      tpu.enqueue_dma source(%dma_start3A_79 : memref<13312xi32, #tpu.memory_space<hbm>>) target(%dma_start3A_77 : memref<13312xi32, #tpu.memory_space<vmem>>) target_semaphore(%run_scoped3A_69 : memref<!tpu.dma_semaphore, #tpu.memory_space<semaphore_mem>>)
      %dma_wait3A = arith.constant 0 : i32
      %dma_wait3A_80 = tpu.memref_slice %arg6[%run_scoped3A_3, %dma_wait3A] : memref<1x13312xi32, #tpu.memory_space<vmem>> -> memref<1x13312xi32, #tpu.memory_space<vmem>>
      %dma_wait3A_81 = tpu.memref_squeeze %dma_wait3A_80 : memref<1x13312xi32, #tpu.memory_space<vmem>> -> memref<13312xi32, #tpu.memory_space<vmem>>
      %dma_wait3A_82 = tpu.memref_slice %arg3[%run_scoped3A, %mul3A_2] : memref<1x425984xi32, #tpu.memory_space<hbm>> -> memref<1x13312xi32, #tpu.memory_space<hbm>>
      %dma_wait3A_83 = tpu.memref_squeeze %dma_wait3A_82 : memref<1x13312xi32, #tpu.memory_space<hbm>> -> memref<13312xi32, #tpu.memory_space<hbm>>
      %dma_wait3A_84 = arith.constant 0 : i32
      %dma_wait3A_85 = tpu.memref_slice %arg6[%run_scoped3A_3, %dma_wait3A_84] : memref<1x13312xi32, #tpu.memory_space<vmem>> -> memref<1x13312xi32, #tpu.memory_space<vmem>>
      %dma_wait3A_86 = tpu.memref_squeeze %dma_wait3A_85 : memref<1x13312xi32, #tpu.memory_space<vmem>> -> memref<13312xi32, #tpu.memory_space<vmem>>
      %dma_wait3A_87 = tpu.memref_slice %arg3[%run_scoped3A, %mul3A_2] : memref<1x425984xi32, #tpu.memory_space<hbm>> -> memref<1x13312xi32, #tpu.memory_space<hbm>>
      %dma_wait3A_88 = tpu.memref_squeeze %dma_wait3A_87 : memref<1x13312xi32, #tpu.memory_space<hbm>> -> memref<13312xi32, #tpu.memory_space<hbm>>
      tpu.wait_dma2 semaphore(%run_scoped3A_69 : memref<!tpu.dma_semaphore, #tpu.memory_space<semaphore_mem>>) src(%dma_wait3A_88 : memref<13312xi32, #tpu.memory_space<hbm>>) dst(%dma_wait3A_86 : memref<13312xi32, #tpu.memory_space<vmem>>)
      tpu.yield
    }) : () -> ()
    %run_scoped3A_4 = arith.constant 0 : i32
    %run_scoped3A_5 = arith.constant 0 : i32
    "tpu.region"() ({
      %run_scoped3A_69 = tpu.sem_alloc : memref<!tpu.dma_semaphore, #tpu.memory_space<semaphore_mem>>
      %dma_start3A_70 = arith.constant 0 : i32
      %dma_start3A_71 = tpu.memref_slice %arg7[%run_scoped3A_5, %dma_start3A_70] : memref<1x13312xi32, #tpu.memory_space<vmem>> -> memref<1x13312xi32, #tpu.memory_space<vmem>>
      %dma_start3A_72 = tpu.memref_squeeze %dma_start3A_71 : memref<1x13312xi32, #tpu.memory_space<vmem>> -> memref<13312xi32, #tpu.memory_space<vmem>>
      %dma_start3A_73 = tpu.memref_slice %arg4[%run_scoped3A_4, %mul3A_2] : memref<1x425984xi32, #tpu.memory_space<hbm>> -> memref<1x13312xi32, #tpu.memory_space<hbm>>
      %dma_start3A_74 = tpu.memref_squeeze %dma_start3A_73 : memref<1x13312xi32, #tpu.memory_space<hbm>> -> memref<13312xi32, #tpu.memory_space<hbm>>
      %dma_start3A_75 = arith.constant 0 : i32
      %dma_start3A_76 = tpu.memref_slice %arg7[%run_scoped3A_5, %dma_start3A_75] : memref<1x13312xi32, #tpu.memory_space<vmem>> -> memref<1x13312xi32, #tpu.memory_space<vmem>>
      %dma_start3A_77 = tpu.memref_squeeze %dma_start3A_76 : memref<1x13312xi32, #tpu.memory_space<vmem>> -> memref<13312xi32, #tpu.memory_space<vmem>>
      %dma_start3A_78 = tpu.memref_slice %arg4[%run_scoped3A_4, %mul3A_2] : memref<1x425984xi32, #tpu.memory_space<hbm>> -> memref<1x13312xi32, #tpu.memory_space<hbm>>
      %dma_start3A_79 = tpu.memref_squeeze %dma_start3A_78 : memref<1x13312xi32, #tpu.memory_space<hbm>> -> memref<13312xi32, #tpu.memory_space<hbm>>
      tpu.enqueue_dma source(%dma_start3A_79 : memref<13312xi32, #tpu.memory_space<hbm>>) target(%dma_start3A_77 : memref<13312xi32, #tpu.memory_space<vmem>>) target_semaphore(%run_scoped3A_69 : memref<!tpu.dma_semaphore, #tpu.memory_space<semaphore_mem>>)
      %dma_wait3A = arith.constant 0 : i32
      %dma_wait3A_80 = tpu.memref_slice %arg7[%run_scoped3A_5, %dma_wait3A] : memref<1x13312xi32, #tpu.memory_space<vmem>> -> memref<1x13312xi32, #tpu.memory_space<vmem>>
      %dma_wait3A_81 = tpu.memref_squeeze %dma_wait3A_80 : memref<1x13312xi32, #tpu.memory_space<vmem>> -> memref<13312xi32, #tpu.memory_space<vmem>>
      %dma_wait3A_82 = tpu.memref_slice %arg4[%run_scoped3A_4, %mul3A_2] : memref<1x425984xi32, #tpu.memory_space<hbm>> -> memref<1x13312xi32, #tpu.memory_space<hbm>>
      %dma_wait3A_83 = tpu.memref_squeeze %dma_wait3A_82 : memref<1x13312xi32, #tpu.memory_space<hbm>> -> memref<13312xi32, #tpu.memory_space<hbm>>
      %dma_wait3A_84 = arith.constant 0 : i32
      %dma_wait3A_85 = tpu.memref_slice %arg7[%run_scoped3A_5, %dma_wait3A_84] : memref<1x13312xi32, #tpu.memory_space<vmem>> -> memref<1x13312xi32, #tpu.memory_space<vmem>>
      %dma_wait3A_86 = tpu.memref_squeeze %dma_wait3A_85 : memref<1x13312xi32, #tpu.memory_space<vmem>> -> memref<13312xi32, #tpu.memory_space<vmem>>
      %dma_wait3A_87 = tpu.memref_slice %arg4[%run_scoped3A_4, %mul3A_2] : memref<1x425984xi32, #tpu.memory_space<hbm>> -> memref<1x13312xi32, #tpu.memory_space<hbm>>
      %dma_wait3A_88 = tpu.memref_squeeze %dma_wait3A_87 : memref<1x13312xi32, #tpu.memory_space<hbm>> -> memref<13312xi32, #tpu.memory_space<hbm>>
      tpu.wait_dma2 semaphore(%run_scoped3A_69 : memref<!tpu.dma_semaphore, #tpu.memory_space<semaphore_mem>>) src(%dma_wait3A_88 : memref<13312xi32, #tpu.memory_space<hbm>>) dst(%dma_wait3A_86 : memref<13312xi32, #tpu.memory_space<vmem>>)
      tpu.yield
    }) : () -> ()
    %rem3A = arith.constant 0 : i32
    %rem3A_6 = arith.constant 8 : i32
    %rem3A_7 = arith.remsi %rem3A, %rem3A_6 : i32
    %mul3A_8 = arith.constant 128 : i32
    %mul3A_9 = arith.muli %rem3A_7, %mul3A_8 : i32
    %dma_start3A = arith.constant 0 : i32
    %dma_start3A_10 = arith.constant 0 : i32
    %dma_start3A_11 = tpu.memref_slice %arg8[%mul3A_9, %dma_start3A_10] : memref<1024x32xf32, #tpu.memory_space<vmem>> -> memref<128x32xf32, #tpu.memory_space<vmem>>
    %dma_start3A_12 = arith.constant 0 : i32
    %dma_start3A_13 = tpu.memref_slice %arg6[%dma_start3A, %dma_start3A_12] : memref<1x13312xi32, #tpu.memory_space<vmem>> -> memref<1x128xi32, #tpu.memory_space<vmem>>
    %dma_start3A_14 = tpu.memref_squeeze %dma_start3A_13 : memref<1x128xi32, #tpu.memory_space<vmem>> -> memref<128xi32, #tpu.memory_space<vmem>>
    %dma_start3A_15 = arith.constant 0 : i32
    %dma_start3A_16 = arith.constant 0 : i32
    %dma_start3A_17 = tpu.memref_slice %arg2[%dma_start3A_15, %dma_start3A_16] : memref<1015808x32xf32, #tpu.memory_space<hbm>> -> memref<1015808x32xf32, #tpu.memory_space<hbm>>
    tpu.enqueue_indirect_dma source(%dma_start3A_17 : memref<1015808x32xf32, #tpu.memory_space<hbm>>) target(%dma_start3A_11 : memref<128x32xf32, #tpu.memory_space<vmem>>) offsets(%dma_start3A_14 : memref<128xi32, #tpu.memory_space<vmem>>) semaphore(%arg9 : memref<!tpu.dma_semaphore, #tpu.memory_space<semaphore_mem>>)
    %rem3A_18 = arith.constant 1 : i32
    %rem3A_19 = arith.constant 8 : i32
    %rem3A_20 = arith.remsi %rem3A_18, %rem3A_19 : i32
    %mul3A_21 = arith.constant 128 : i32
    %mul3A_22 = arith.muli %rem3A_20, %mul3A_21 : i32
    %dma_start3A_23 = arith.constant 0 : i32
    %dma_start3A_24 = arith.constant 0 : i32
    %dma_start3A_25 = tpu.memref_slice %arg8[%mul3A_22, %dma_start3A_24] : memref<1024x32xf32, #tpu.memory_space<vmem>> -> memref<128x32xf32, #tpu.memory_space<vmem>>
    %dma_start3A_26 = arith.constant 128 : i32
    %dma_start3A_27 = tpu.memref_slice %arg6[%dma_start3A_23, %dma_start3A_26] : memref<1x13312xi32, #tpu.memory_space<vmem>> -> memref<1x128xi32, #tpu.memory_space<vmem>>
    %dma_start3A_28 = tpu.memref_squeeze %dma_start3A_27 : memref<1x128xi32, #tpu.memory_space<vmem>> -> memref<128xi32, #tpu.memory_space<vmem>>
    %dma_start3A_29 = arith.constant 0 : i32
    %dma_start3A_30 = arith.constant 0 : i32
    %dma_start3A_31 = tpu.memref_slice %arg2[%dma_start3A_29, %dma_start3A_30] : memref<1015808x32xf32, #tpu.memory_space<hbm>> -> memref<1015808x32xf32, #tpu.memory_space<hbm>>
    tpu.enqueue_indirect_dma source(%dma_start3A_31 : memref<1015808x32xf32, #tpu.memory_space<hbm>>) target(%dma_start3A_25 : memref<128x32xf32, #tpu.memory_space<vmem>>) offsets(%dma_start3A_28 : memref<128xi32, #tpu.memory_space<vmem>>) semaphore(%arg9 : memref<!tpu.dma_semaphore, #tpu.memory_space<semaphore_mem>>)
    %rem3A_32 = arith.constant 2 : i32
    %rem3A_33 = arith.constant 8 : i32
    %rem3A_34 = arith.remsi %rem3A_32, %rem3A_33 : i32
    %mul3A_35 = arith.constant 128 : i32
    %mul3A_36 = arith.muli %rem3A_34, %mul3A_35 : i32
    %dma_start3A_37 = arith.constant 0 : i32
    %dma_start3A_38 = arith.constant 0 : i32
    %dma_start3A_39 = tpu.memref_slice %arg8[%mul3A_36, %dma_start3A_38] : memref<1024x32xf32, #tpu.memory_space<vmem>> -> memref<128x32xf32, #tpu.memory_space<vmem>>
    %dma_start3A_40 = arith.constant 256 : i32
    %dma_start3A_41 = tpu.memref_slice %arg6[%dma_start3A_37, %dma_start3A_40] : memref<1x13312xi32, #tpu.memory_space<vmem>> -> memref<1x128xi32, #tpu.memory_space<vmem>>
    %dma_start3A_42 = tpu.memref_squeeze %dma_start3A_41 : memref<1x128xi32, #tpu.memory_space<vmem>> -> memref<128xi32, #tpu.memory_space<vmem>>
    %dma_start3A_43 = arith.constant 0 : i32
    %dma_start3A_44 = arith.constant 0 : i32
    %dma_start3A_45 = tpu.memref_slice %arg2[%dma_start3A_43, %dma_start3A_44] : memref<1015808x32xf32, #tpu.memory_space<hbm>> -> memref<1015808x32xf32, #tpu.memory_space<hbm>>
    tpu.enqueue_indirect_dma source(%dma_start3A_45 : memref<1015808x32xf32, #tpu.memory_space<hbm>>) target(%dma_start3A_39 : memref<128x32xf32, #tpu.memory_space<vmem>>) offsets(%dma_start3A_42 : memref<128xi32, #tpu.memory_space<vmem>>) semaphore(%arg9 : memref<!tpu.dma_semaphore, #tpu.memory_space<semaphore_mem>>)
    %rem3A_46 = arith.constant 3 : i32
    %rem3A_47 = arith.constant 8 : i32
    %rem3A_48 = arith.remsi %rem3A_46, %rem3A_47 : i32
    %mul3A_49 = arith.constant 128 : i32
    %mul3A_50 = arith.muli %rem3A_48, %mul3A_49 : i32
    %dma_start3A_51 = arith.constant 0 : i32
    %dma_start3A_52 = arith.constant 0 : i32
    %dma_start3A_53 = tpu.memref_slice %arg8[%mul3A_50, %dma_start3A_52] : memref<1024x32xf32, #tpu.memory_space<vmem>> -> memref<128x32xf32, #tpu.memory_space<vmem>>
    %dma_start3A_54 = arith.constant 384 : i32
    %dma_start3A_55 = tpu.memref_slice %arg6[%dma_start3A_51, %dma_start3A_54] : memref<1x13312xi32, #tpu.memory_space<vmem>> -> memref<1x128xi32, #tpu.memory_space<vmem>>
    %dma_start3A_56 = tpu.memref_squeeze %dma_start3A_55 : memref<1x128xi32, #tpu.memory_space<vmem>> -> memref<128xi32, #tpu.memory_space<vmem>>
    %dma_start3A_57 = arith.constant 0 : i32
    %dma_start3A_58 = arith.constant 0 : i32
    %dma_start3A_59 = tpu.memref_slice %arg2[%dma_start3A_57, %dma_start3A_58] : memref<1015808x32xf32, #tpu.memory_space<hbm>> -> memref<1015808x32xf32, #tpu.memory_space<hbm>>
    tpu.enqueue_indirect_dma source(%dma_start3A_59 : memref<1015808x32xf32, #tpu.memory_space<hbm>>) target(%dma_start3A_53 : memref<128x32xf32, #tpu.memory_space<vmem>>) offsets(%dma_start3A_56 : memref<128xi32, #tpu.memory_space<vmem>>) semaphore(%arg9 : memref<!tpu.dma_semaphore, #tpu.memory_space<semaphore_mem>>)
    %scan3A = arith.constant 0 : i32
    %scan3A_60 = arith.constant 104 : i32
    %scan3A_61 = arith.addi %scan3A, %scan3A_60 : i32
    %scan3A_62 = arith.constant 1 : i32
    scf.for %scan3A_69 = %scan3A to %scan3A_61 step %scan3A_62  : i32 {
      %mul3A_70 = arith.constant 1 : i32
      %mul3A_71 = arith.muli %scan3A_69, %mul3A_70 : i32
      %add3A_72 = arith.constant 0 : i32
      %add3A_73 = arith.addi %add3A_72, %mul3A_71 : i32
      %rem3A_74 = arith.constant 8 : i32
      %rem3A_75 = arith.remsi %add3A_73, %rem3A_74 : i32
      %mul3A_76 = arith.constant 128 : i32
      %mul3A_77 = arith.muli %add3A_73, %mul3A_76 : i32
      %mul3A_78 = arith.constant 128 : i32
      %mul3A_79 = arith.muli %rem3A_75, %mul3A_78 : i32
      %dma_wait3A = arith.constant 0 : i32
      %dma_wait3A_80 = arith.constant 0 : i32
      %dma_wait3A_81 = tpu.memref_slice %arg8[%mul3A_79, %dma_wait3A_80] : memref<1024x32xf32, #tpu.memory_space<vmem>> -> memref<128x32xf32, #tpu.memory_space<vmem>>
      %dma_wait3A_82 = tpu.memref_slice %arg6[%dma_wait3A, %mul3A_77] : memref<1x13312xi32, #tpu.memory_space<vmem>> -> memref<1x128xi32, #tpu.memory_space<vmem>>
      %dma_wait3A_83 = tpu.memref_squeeze %dma_wait3A_82 : memref<1x128xi32, #tpu.memory_space<vmem>> -> memref<128xi32, #tpu.memory_space<vmem>>
      %dma_wait3A_84 = arith.constant 0 : i32
      %dma_wait3A_85 = arith.constant 0 : i32
      %dma_wait3A_86 = tpu.memref_slice %arg2[%dma_wait3A_84, %dma_wait3A_85] : memref<1015808x32xf32, #tpu.memory_space<hbm>> -> memref<1015808x32xf32, #tpu.memory_space<hbm>>
      tpu.wait_indirect_dma semaphore(%arg9 : memref<!tpu.dma_semaphore, #tpu.memory_space<semaphore_mem>>) src(%dma_wait3A_86 : memref<1015808x32xf32, #tpu.memory_space<hbm>>) dst(%dma_wait3A_81 : memref<128x32xf32, #tpu.memory_space<vmem>>)
      %rem3A_87 = arith.constant 8 : i32
      %rem3A_88 = arith.remsi %add3A_73, %rem3A_87 : i32
      %mul3A_89 = arith.constant 128 : i32
      %mul3A_90 = arith.muli %rem3A_88, %mul3A_89 : i32
      %mul3A_91 = arith.constant 128 : i32
      %mul3A_92 = arith.muli %add3A_73, %mul3A_91 : i32
      %dma_start3A_93 = arith.constant 0 : i32
      %dma_start3A_94 = arith.constant 0 : i32
      %dma_start3A_95 = tpu.memref_slice %arg8[%mul3A_90, %dma_start3A_94] : memref<1024x32xf32, #tpu.memory_space<vmem>> -> memref<128x32xf32, #tpu.memory_space<vmem>>
      %dma_start3A_96 = tpu.memref_slice %arg7[%dma_start3A_93, %mul3A_92] : memref<1x13312xi32, #tpu.memory_space<vmem>> -> memref<1x128xi32, #tpu.memory_space<vmem>>
      %dma_start3A_97 = tpu.memref_squeeze %dma_start3A_96 : memref<1x128xi32, #tpu.memory_space<vmem>> -> memref<128xi32, #tpu.memory_space<vmem>>
      %dma_start3A_98 = arith.constant 0 : i32
      %dma_start3A_99 = arith.constant 0 : i32
      %dma_start3A_100 = tpu.memref_slice %arg5[%dma_start3A_98, %dma_start3A_99] : memref<2097152x32xf32, #tpu.memory_space<hbm>> -> memref<2097152x32xf32, #tpu.memory_space<hbm>>
      tpu.enqueue_indirect_dma source(%dma_start3A_95 : memref<128x32xf32, #tpu.memory_space<vmem>>) target(%dma_start3A_100 : memref<2097152x32xf32, #tpu.memory_space<hbm>>) offsets(%dma_start3A_97 : memref<128xi32, #tpu.memory_space<vmem>>) semaphore(%arg10 : memref<!tpu.dma_semaphore, #tpu.memory_space<semaphore_mem>>)
      %ge3A = arith.constant 4 : i32
      %ge3A_101 = arith.cmpi sge, %add3A_73, %ge3A : i32
      %convert_element_type3A = arith.extui %ge3A_101 : i1 to i32
      %cond3A = arith.constant 0 : i32
      %cond3A_102 = arith.cmpi ne, %convert_element_type3A, %cond3A : i32
      scf.if %cond3A_102 {
        %sub3A = arith.constant 4 : i32
        %sub3A_107 = arith.subi %add3A_73, %sub3A : i32
        %rem3A_108 = arith.constant 8 : i32
        %rem3A_109 = arith.remsi %sub3A_107, %rem3A_108 : i32
        %mul3A_110 = arith.constant 128 : i32
        %mul3A_111 = arith.muli %rem3A_109, %mul3A_110 : i32
        %mul3A_112 = arith.constant 128 : i32
        %mul3A_113 = arith.muli %sub3A_107, %mul3A_112 : i32
        %dma_wait3A_114 = arith.constant 0 : i32
        %dma_wait3A_115 = arith.constant 0 : i32
        %dma_wait3A_116 = tpu.memref_slice %arg8[%mul3A_111, %dma_wait3A_115] : memref<1024x32xf32, #tpu.memory_space<vmem>> -> memref<128x32xf32, #tpu.memory_space<vmem>>
        %dma_wait3A_117 = tpu.memref_slice %arg7[%dma_wait3A_114, %mul3A_113] : memref<1x13312xi32, #tpu.memory_space<vmem>> -> memref<1x128xi32, #tpu.memory_space<vmem>>
        %dma_wait3A_118 = tpu.memref_squeeze %dma_wait3A_117 : memref<1x128xi32, #tpu.memory_space<vmem>> -> memref<128xi32, #tpu.memory_space<vmem>>
        %dma_wait3A_119 = arith.constant 0 : i32
        %dma_wait3A_120 = arith.constant 0 : i32
        %dma_wait3A_121 = tpu.memref_slice %arg5[%dma_wait3A_119, %dma_wait3A_120] : memref<2097152x32xf32, #tpu.memory_space<hbm>> -> memref<2097152x32xf32, #tpu.memory_space<hbm>>
        tpu.wait_indirect_dma semaphore(%arg10 : memref<!tpu.dma_semaphore, #tpu.memory_space<semaphore_mem>>) src(%dma_wait3A_116 : memref<128x32xf32, #tpu.memory_space<vmem>>) dst(%dma_wait3A_121 : memref<2097152x32xf32, #tpu.memory_space<hbm>>)
      } else {
      }
      %lt3A = arith.constant 100 : i32
      %lt3A_103 = arith.cmpi slt, %add3A_73, %lt3A : i32
      %convert_element_type3A_104 = arith.extui %lt3A_103 : i1 to i32
      %cond3A_105 = arith.constant 0 : i32
      %cond3A_106 = arith.cmpi ne, %convert_element_type3A_104, %cond3A_105 : i32
      scf.if %cond3A_106 {
        %add3A_107 = arith.constant 4 : i32
        %add3A_108 = arith.addi %add3A_73, %add3A_107 : i32
        %rem3A_109 = arith.constant 8 : i32
        %rem3A_110 = arith.remsi %add3A_108, %rem3A_109 : i32
        %mul3A_111 = arith.constant 128 : i32
        %mul3A_112 = arith.muli %add3A_108, %mul3A_111 : i32
        %mul3A_113 = arith.constant 128 : i32
        %mul3A_114 = arith.muli %rem3A_110, %mul3A_113 : i32
        %dma_start3A_115 = arith.constant 0 : i32
        %dma_start3A_116 = arith.constant 0 : i32
        %dma_start3A_117 = tpu.memref_slice %arg8[%mul3A_114, %dma_start3A_116] : memref<1024x32xf32, #tpu.memory_space<vmem>> -> memref<128x32xf32, #tpu.memory_space<vmem>>
        %dma_start3A_118 = tpu.memref_slice %arg6[%dma_start3A_115, %mul3A_112] : memref<1x13312xi32, #tpu.memory_space<vmem>> -> memref<1x128xi32, #tpu.memory_space<vmem>>
        %dma_start3A_119 = tpu.memref_squeeze %dma_start3A_118 : memref<1x128xi32, #tpu.memory_space<vmem>> -> memref<128xi32, #tpu.memory_space<vmem>>
        %dma_start3A_120 = arith.constant 0 : i32
        %dma_start3A_121 = arith.constant 0 : i32
        %dma_start3A_122 = tpu.memref_slice %arg2[%dma_start3A_120, %dma_start3A_121] : memref<1015808x32xf32, #tpu.memory_space<hbm>> -> memref<1015808x32xf32, #tpu.memory_space<hbm>>
        tpu.enqueue_indirect_dma source(%dma_start3A_122 : memref<1015808x32xf32, #tpu.memory_space<hbm>>) target(%dma_start3A_117 : memref<128x32xf32, #tpu.memory_space<vmem>>) offsets(%dma_start3A_119 : memref<128xi32, #tpu.memory_space<vmem>>) semaphore(%arg9 : memref<!tpu.dma_semaphore, #tpu.memory_space<semaphore_mem>>)
      } else {
      }
    }
    %scan3A_63 = arith.constant 104 : i32
    %scan3A_64 = arith.constant 0 : i32
    %scan3A_65 = arith.constant 4 : i32
    %scan3A_66 = arith.addi %scan3A_64, %scan3A_65 : i32
    %scan3A_67 = arith.constant 1 : i32
    scf.for %scan3A_69 = %scan3A_64 to %scan3A_66 step %scan3A_67  : i32 {
      %mul3A_70 = arith.constant 1 : i32
      %mul3A_71 = arith.muli %scan3A_69, %mul3A_70 : i32
      %add3A_72 = arith.constant 100 : i32
      %add3A_73 = arith.addi %add3A_72, %mul3A_71 : i32
      %rem3A_74 = arith.constant 8 : i32
      %rem3A_75 = arith.remsi %add3A_73, %rem3A_74 : i32
      %mul3A_76 = arith.constant 128 : i32
      %mul3A_77 = arith.muli %rem3A_75, %mul3A_76 : i32
      %mul3A_78 = arith.constant 128 : i32
      %mul3A_79 = arith.muli %add3A_73, %mul3A_78 : i32
      %dma_wait3A = arith.constant 0 : i32
      %dma_wait3A_80 = arith.constant 0 : i32
      %dma_wait3A_81 = tpu.memref_slice %arg8[%mul3A_77, %dma_wait3A_80] : memref<1024x32xf32, #tpu.memory_space<vmem>> -> memref<128x32xf32, #tpu.memory_space<vmem>>
      %dma_wait3A_82 = tpu.memref_slice %arg7[%dma_wait3A, %mul3A_79] : memref<1x13312xi32, #tpu.memory_space<vmem>> -> memref<1x128xi32, #tpu.memory_space<vmem>>
      %dma_wait3A_83 = tpu.memref_squeeze %dma_wait3A_82 : memref<1x128xi32, #tpu.memory_space<vmem>> -> memref<128xi32, #tpu.memory_space<vmem>>
      %dma_wait3A_84 = arith.constant 0 : i32
      %dma_wait3A_85 = arith.constant 0 : i32
      %dma_wait3A_86 = tpu.memref_slice %arg5[%dma_wait3A_84, %dma_wait3A_85] : memref<2097152x32xf32, #tpu.memory_space<hbm>> -> memref<2097152x32xf32, #tpu.memory_space<hbm>>
      tpu.wait_indirect_dma semaphore(%arg10 : memref<!tpu.dma_semaphore, #tpu.memory_space<semaphore_mem>>) src(%dma_wait3A_81 : memref<128x32xf32, #tpu.memory_space<vmem>>) dst(%dma_wait3A_86 : memref<2097152x32xf32, #tpu.memory_space<hbm>>)
    }
    %scan3A_68 = arith.constant 4 : i32
    return
  }
}

module attributes {stable_mosaic.version = 14 : i64} {
  func.func @tbody(%arg0: i32, %arg1: memref<32x32768xf32, #tpu.memory_space<vmem>>, %arg2: memref<8192x128xf32, #tpu.memory_space<vmem>>) attributes {dimension_semantics = [#tpu.dimension_semantics<arbitrary>], iteration_bounds = array<i64: 31>, scalar_prefetch = 0 : i64, scratch_operands = 0 : i64, tpu.core_type = #tpu.core_type<tc>, window_params = [{transform_indices = @transform_0, window_bounds = array<i64: 32, 32768>}, {transform_indices = @transform_1, window_bounds = array<i64: 8192, 128>}]} {
    %get3A = arith.constant 0 : index
    %get3A_0 = arith.constant 0 : index
    %get3A_1 = vector.load %arg1[%get3A, %get3A_0] : memref<32x32768xf32, #tpu.memory_space<vmem>>, vector<32x32768xf32>
    %slice3A = vector.extract_strided_slice %get3A_1 {offsets = [0, 0], sizes = [32, 8192], strides = [1, 1]} : vector<32x32768xf32> to vector<32x8192xf32>
    %transpose3A = tpu.transpose %slice3A, [1, 0] : vector<32x8192xf32> -> vector<8192x32xf32>
    %swap3A = arith.constant 0 : index
    %swap3A_2 = arith.constant 0 : index
    %swap3A_3 = vector.load %arg2[%swap3A, %swap3A_2] : memref<8192x128xf32, #tpu.memory_space<vmem>>, vector<8192x32xf32>
    tpu.vector_store %arg2[%swap3A, %swap3A_2], %transpose3A {strides = array<i32>} : memref<8192x128xf32, #tpu.memory_space<vmem>>, vector<8192x32xf32>,
    %slice3A_4 = vector.extract_strided_slice %get3A_1 {offsets = [0, 8192], sizes = [32, 8192], strides = [1, 1]} : vector<32x32768xf32> to vector<32x8192xf32>
    %transpose3A_5 = tpu.transpose %slice3A_4, [1, 0] : vector<32x8192xf32> -> vector<8192x32xf32>
    %swap3A_6 = arith.constant 0 : index
    %swap3A_7 = arith.constant 32 : index
    %swap3A_8 = vector.load %arg2[%swap3A_6, %swap3A_7] : memref<8192x128xf32, #tpu.memory_space<vmem>>, vector<8192x32xf32>
    tpu.vector_store %arg2[%swap3A_6, %swap3A_7], %transpose3A_5 {strides = array<i32>} : memref<8192x128xf32, #tpu.memory_space<vmem>>, vector<8192x32xf32>,
    %slice3A_9 = vector.extract_strided_slice %get3A_1 {offsets = [0, 16384], sizes = [32, 8192], strides = [1, 1]} : vector<32x32768xf32> to vector<32x8192xf32>
    %transpose3A_10 = tpu.transpose %slice3A_9, [1, 0] : vector<32x8192xf32> -> vector<8192x32xf32>
    %swap3A_11 = arith.constant 0 : index
    %swap3A_12 = arith.constant 64 : index
    %swap3A_13 = vector.load %arg2[%swap3A_11, %swap3A_12] : memref<8192x128xf32, #tpu.memory_space<vmem>>, vector<8192x32xf32>
    tpu.vector_store %arg2[%swap3A_11, %swap3A_12], %transpose3A_10 {strides = array<i32>} : memref<8192x128xf32, #tpu.memory_space<vmem>>, vector<8192x32xf32>,
    %slice3A_14 = vector.extract_strided_slice %get3A_1 {offsets = [0, 24576], sizes = [32, 8192], strides = [1, 1]} : vector<32x32768xf32> to vector<32x8192xf32>
    %transpose3A_15 = tpu.transpose %slice3A_14, [1, 0] : vector<32x8192xf32> -> vector<8192x32xf32>
    %swap3A_16 = arith.constant 0 : index
    %swap3A_17 = arith.constant 96 : index
    %swap3A_18 = vector.load %arg2[%swap3A_16, %swap3A_17] : memref<8192x128xf32, #tpu.memory_space<vmem>>, vector<8192x32xf32>
    tpu.vector_store %arg2[%swap3A_16, %swap3A_17], %transpose3A_15 {strides = array<i32>} : memref<8192x128xf32, #tpu.memory_space<vmem>>, vector<8192x32xf32>,
    return
  }
  func.func @transform_0(%arg0: i32) -> (i32, i32) {
    %c0_i32 = arith.constant 0 : i32
    %c0_i32_0 = arith.constant 0 : i32
    return %c0_i32, %arg0 : i32, i32
  }
  func.func @transform_1(%arg0: i32) -> (i32, i32) {
    %c0_i32 = arith.constant 0 : i32
    %c0_i32_0 = arith.constant 0 : i32
    return %arg0, %c0_i32 : i32, i32
  }
}

</mosaic_0001>

<sc_bundles>
// kernel: kernel.4.cloned.1.call-start
scs
__scs_entry_jumppad:
0x0: {  	(pc) =	sbr.rel $0x88, $3  }
0x1: {  	(tag) =	ssettag $0x0;
	lr =	simm.s32 $0x1  }
0x2: {  	[smem:$0x3F9F] =	sst lr;
	_ =	strace $0xD0000000  }
0x3: {  	_ = 	snop  }
0x4: {  	_ = 	snop  }
0x5: {  	_ = 	snop  }
0x6: {  	_ = 	snop  }
0x7: {  	_ = 	snop  }
__scs_overlays_trampoline_lowered:
0x8: {  	[smem:$0x3FAE] =	sst s0  }
0x9: {  	[smem:$0x3FAF] =	sst s1  }
0xa: {  	[smem:$0x3FB0] =	sst s2  }
0xb: {  	[smem:$0x3FB1] =	sst s3  }
0xc: {  	[smem:$0x3FB2] =	sst s4  }
0xd: {  	[smem:$0x3FB3] =	sst s5  }
0xe: {  	[smem:$0x3FB4] =	sst s6  }
0xf: {  	[smem:$0x3FB5] =	sst s7  }
0x10: {  	[smem:$0x3FB6] =	sst s8  }
0x11: {  	[smem:$0x3FB7] =	sst s9;
	s0 =	simm.s32 @!p0 $0x0  }
0x12: {  	s1 =	sld [smem:$0x3F9D];
	s0 =	simm.s32 @p0 $0x1  }
0x13: {  	[smem:$0x3FB8] =	sst s0;
	s0 =	simm.s32 @!p1 $0x0  }
0x14: {  	s2 =	sld [smem:$0x3F9C];
	s0 =	simm.s32 @p1 $0x1  }
0x15: {  	[smem:$0x3FB9] =	sst s0;
	s0 =	simm.s32 @!p2 $0x0  }
0x16: {  	s3 =	sld [smem:$0x3FDB];
	s0 =	simm.s32 @p2 $0x1  }
0x17: {  	s4 =	simm.s32 $0x1BF5;
	[smem:$0x3FBB] =	sst s0  }
0x18: {  	s0 =	sld [smem:$0x3F9E];
	_ =	swait.ge [sflag:s4], $0x0  }
0x19: {  	s7 =	sld [smem:$0x3F9F]  }
0x1a: {  	s8 =	sadd.s32 $0xFFFFE003, lr  }
0x1b: {  	s9 =	sadd.s32 $0xFFFFFEF7, lr;
	s5 =	simm.s32 $0xFFFFFFFF;
	p2 =	slt.u32 s8, $0xFFFFF086  }
0x1c: {  	p1 =	slt.u32 s9, $0xF7A;
	s5 =	simm.s32 @!p2 $0x0  }
0x1d: {  	s5 =	simm.s32 @p1 $0x1;
	p0 =	seq.s32 s7, s2  }
0x1e: {  	s7 =	smul.u32 @!p0 $0xF7A, s2;
	p2 =	seq.s32 @!p0 s5, $0x0  }
0x1f: {  	s9 =	smul.u32 $0xF7A, s1;
	s8 =	simm.s32 @!p0 $0x1BF5;
	p2 =	por !p2, p0  }
0x20: {  	[sflag:s8] =	ssyncset.s32 @!p0 $0xFFFFF086;
	s6 =	sadd.s32 @!p0 s3, s7;
	s7 =	simm.s32 @!p0 $0x108  }
0x21: {  	s3 =	sadd.s32 s3, s9;
	s6 =	sadd.s32 @!p0 $0x88, s6;
	s7 =	simm.s32 @p2 $0x1082  }
0x22: {  	[simem:s7], [sflag:s8] =	dma.local @!p0 [hbm:s6], $0xF7A  }
0x23: {  	s9 =	sor.u32 $0xD0000000, s2;
	s6 =	simm.s32 $0x108;
	_ =	swait.ge @!p0 [sflag:s8], $0x0  }
0x24: {  	s3 =	sadd.s32 $0x88, s3;
	s6 =	simm.s32 @!p1 $0x1082;
	[sflag:s4] =	ssyncset.s32 $0xFFFFF086  }
0x25: {  	[simem:s6], [sflag:s4] =	dma.local [hbm:s3], $0xF7A  }
0x26: {  	[smem:$0x3F9F] =	sst s1;
	(tag) =	ssettag s2;
	_ =	strace s9  }
0x27: {  	s1 =	sld [smem:$0x3FAF]  }
0x28: {  	s2 =	sld [smem:$0x3FB0]  }
0x29: {  	s4 =	sld [smem:$0x3FB2]  }
0x2a: {  	p0 =	seq.s32 s5, $0x0;
	s5 =	sld [smem:$0x3FB3]  }
0x2b: {  	s6 =	sld [smem:$0x3FB4]  }
0x2c: {  	s7 =	sld [smem:$0x3FB5]  }
0x2d: {  	s3 =	simm.s32 $0x108;
	s8 =	sld [smem:$0x3FB6]  }
0x2e: {  	s3 =	simm.s32 @!p0 $0x1082;
	s9 =	sld [smem:$0x3FB7]  }
0x2f: {  	lr =	sadd.s32 s0, s3;
	s0 =	sld [smem:$0x3FAE]  }
0x30: {  	s3 =	sld [smem:$0x3FB1]  }
0x31: {  	[smem:$0x3FBA] =	sst s10  }
0x32: {  	s10 =	sld [smem:$0x3FB8];
	_ =	sdelay $0x3  }
0x33: {  	p0 =	seq.s32 s10, $0x1;
	s10 =	sld [smem:$0x3FBA];
	_ =	sdelay $0x3  }
0x34: {  	[smem:$0x3FBA] =	sst s10  }
0x35: {  	s10 =	sld [smem:$0x3FB9];
	_ =	sdelay $0x3  }
0x36: {  	p1 =	seq.s32 s10, $0x1;
	s10 =	sld [smem:$0x3FBA];
	_ =	sdelay $0x3  }
0x37: {  	[smem:$0x3FBA] =	sst s10  }
0x38: {  	s10 =	sld [smem:$0x3FBB]  }
0x39: {  	_ = 	snop;
	(pc) =	sbr.ind lr, $3  }
0x3a: {  	_ = 	snop  }
0x3b: {  	_ = 	snop  }
0x3c: {  	p2 =	seq.s32 s10, $0x1;
	s10 =	sld [smem:$0x3FBA]  }
0x3d: {  	_ =	shalt  }
0x3e: {  	_ =	shalt  }
0x3f: {  	_ =	shalt  }
0x40: {  	_ =	shalt  }
0x41: {  	_ =	shalt  }
0x42: {  	_ =	shalt  }
0x43: {  	_ =	shalt  }
0x44: {  	_ =	shalt  }
0x45: {  	_ =	shalt  }
0x46: {  	_ =	shalt  }
0x47: {  	_ =	shalt  }
0x48: {  	_ =	shalt  }
0x49: {  	_ =	shalt  }
0x4a: {  	_ =	shalt  }
0x4b: {  	_ =	shalt  }
0x4c: {  	_ =	shalt  }
0x4d: {  	_ =	shalt  }
0x4e: {  	_ =	shalt  }
0x4f: {  	_ =	shalt  }
0x50: {  	_ =	shalt  }
0x51: {  	_ =	shalt  }
0x52: {  	_ =	shalt  }
0x53: {  	_ =	shalt  }
0x54: {  	_ =	shalt  }
0x55: {  	_ =	shalt  }
0x56: {  	_ =	shalt  }
0x57: {  	_ =	shalt  }
0x58: {  	_ =	shalt  }
0x59: {  	_ =	shalt  }
0x5a: {  	_ =	shalt  }
0x5b: {  	_ =	shalt  }
0x5c: {  	_ =	shalt  }
0x5d: {  	_ =	shalt  }
0x5e: {  	_ =	shalt  }
0x5f: {  	_ =	shalt  }
0x60: {  	_ =	shalt  }
0x61: {  	_ =	shalt  }
0x62: {  	_ =	shalt  }
0x63: {  	_ =	shalt  }
0x64: {  	_ =	shalt  }
0x65: {  	_ =	shalt  }
0x66: {  	_ =	shalt  }
0x67: {  	_ =	shalt  }
0x68: {  	_ =	shalt  }
0x69: {  	_ =	shalt  }
0x6a: {  	_ =	shalt  }
0x6b: {  	_ =	shalt  }
0x6c: {  	_ =	shalt  }
0x6d: {  	_ =	shalt  }
0x6e: {  	_ =	shalt  }
0x6f: {  	_ =	shalt  }
0x70: {  	_ =	shalt  }
0x71: {  	_ =	shalt  }
0x72: {  	_ =	shalt  }
0x73: {  	_ =	shalt  }
0x74: {  	_ =	shalt  }
0x75: {  	_ =	shalt  }
0x76: {  	_ =	shalt  }
0x77: {  	_ =	shalt  }
0x78: {  	_ =	shalt  }
0x79: {  	_ =	shalt  }
0x7a: {  	_ =	shalt  }
0x7b: {  	_ =	shalt  }
0x7c: {  	_ =	shalt  }
0x7d: {  	_ =	shalt  }
0x7e: {  	_ =	shalt  }
0x7f: {  	_ =	shalt  }
0x80: {  	_ =	shalt  }
0x81: {  	_ =	shalt  }
0x82: {  	_ =	shalt  }
0x83: {  	_ =	shalt  }
0x84: {  	_ =	shalt  }
0x85: {  	_ =	shalt  }
0x86: {  	_ =	shalt  }
0x87: {  	_ =	shalt  }
.Lfunc_end0:
.L_simem_size_0:
called_computation.1_lowered:
.L_overlay_start_0:
0x88: {  	s2 =	sld [smem:$0x3FD9]  }
0x89: {  	s3 =	sld [smem:$0x3FFE];
	_ =	sdelay $0x1  }
0x8a: {  	s1 =	srdreg.scid  }
0x8b: {  	s0 =	sand.u32 $0x1, s1  }
0x8c: {  	s17 =	sshll.u32 s0, $0xA;
	s2 =	sadd.s32 s3, s2  }
0x8d: {  	s2 =	sadd.s32 s2, s17  }
0x8e: {  	[smem:$0x3FC6] =	sst s2  }
0x8f: {  	_ = 	snop  }
0x90: {  	s2 =	sld [smem:$0x3FD0];
	(tm) =	ssettm $0x1  }
0x91: {  	s18 =	sld [smem:$0x3FFB];
	_ =	sdelay $0x3  }
0x92: {  	_ =	strace s18  }
0x93: {  	s3 =	sld [smem:$0x3FFC];
	_ =	sdelay $0x3  }
0x94: {  	_ =	strace s3  }
0x95: {  	s3 =	sld [smem:$0x3FFD];
	_ =	sdelay $0x3  }
0x96: {  	_ =	strace s3  }
0x97: {  	_ =	strace $0x8FFFFFFF  }
0x98: {  	s19 =	sld [smem:$0x3FDB];
	_ =	sdelay $0x1  }
0x99: {  	s4 =	simm.s32 $_scs_section_size  }
0x9a: {  	s5 =	simm.s32 $_size__tile_overlayer_lowered;
	s6 =	simm.s32 $_tile_overlayer_lowered  }
0x9b: {  	s22 =	simm.s32 $0x1BFF;
	s21 =	sshll.u32 s6, $0x1;
	s3 =	sadd.s32 s4, s19  }
0x9c: {  	s7 =	simm.s32 $0x0;
	s20 =	sshll.u32 s5, $0x1;
	s5 =	sadd.s32 s21, s3  }
0x9d: {  	[timem:s7], [sflag:s22] =	dma.local [hbm:s5], s20  }
0x9e: {  	_ =	swait.ge [sflag:s22], s20  }
0x9f: {  	s4 =	ssub.s32 $0x0, s20;
	[sflag:s22] =	ssyncset.done $0x0  }
0xa0: {  	[sflag:s22] =	ssyncadd.s32 s4;
	_ =	sdelay $0x1  }
0xa1: {  	s23 =	simm.s32 $0x1B8B  }
0xa2: {  	_ =	swait.ge [sflag:s23], $0x1  }
0xa3: {  	[sflag:s23] =	ssyncset.done $0x0  }
0xa4: {  	s25 =	simm.s32 $0x1B8E;
	s24 =	sld [smem:$0x3FFE];
	[sflag:s23] =	ssyncadd.s32 $0xFFFFFFFF  }
0xa5: {  	s26 =	simm.s32 $execute0_lowered;
	[smem:$0x3FD2] =	sst s25  }
0xa6: {  	s5 =	sshll.u32 s26, $0x1;
	_ =	strace $0x80000046;
	[dreg:$0x1] =	wrdreg $0xFFFFFFFF  }
0xa7: {  	s28 =	simm.s32 $_size_execute0_lowered;
	s3 =	sadd.s32 s3, s5;
	[dreg:$0x0] =	wrdreg $0x0  }
0xa8: {  	s5 =	sshll.u32 s28, $0x1;
	[dreg:$0x2] =	wrdreg s3  }
0xa9: {  	[dreg:$0x3] =	wrdreg s5  }
0xaa: {  	[dreg:$0x4] =	wrdreg $0xC0  }
0xab: {  	_ =	task [dreg:s7], $0x5FFFF  }
0xac: {  	[dreg:$0x1] =	wrdreg $0xFFFFFFFF  }
0xad: {  	[dreg:$0x0] =	wrdreg $0x60  }
0xae: {  	[dreg:$0x2] =	wrdreg s24  }
0xaf: {  	[dreg:$0x3] =	wrdreg s2  }
0xb0: {  	[dreg:$0x4] =	wrdreg $0x9  }
0xb1: {  	_ =	task.clear_ibuf [dreg:s7], $0x5FFFF;
	_ =	strace $0x90000046  }
0xb2: {  	s29 =	simm.s32 $0x9;
	_ =	strace $0x80000048  }
0xb3: {  	_ =	swait.ge [sflag:s29], $0x1  }
0xb4: {  	[sflag:s29] =	ssyncadd.s32 $0xFFFFFFFF  }
0xb5: {  	_ =	strace $0x90000048  }
0xb6: {  	_ =	sfence  }
0xb7: {  	s30 =	sld [smem:$0x0];
	_ =	sdelay $0x2  }
0xb8: {  	s31 =	sshll.u32 s1, $0xD;
	s1 =	sshrl.u32 s1, $0x2  }
0xb9: {  	s3 =	sand.u32 $0x4000, s31;
	s1 =	sadd.s32 s1, s30  }
0xba: {  	s0 =	sor.u32 s3, s0;
	s1 =	sshll.u32 s1, $0x11  }
0xbb: {  	s0 =	sor.u32 s1, s0  }
0xbc: {  	s0 =	sadd.s32 $0x8F2B, s0  }
0xbd: {  	[sflag:s0] =	ssyncadd.remote.s32 $0x1  }
0xbe: {  	_ =	sfence.sel $0xFFFF  }
0xbf: {  	[dreg:$0x0] =	wrdreg $0xFFFFFFFF;
	(pc) =	sbr.abs _section_cstart, $3  }
0xc0: {  	[dreg:$0x1] =	wrdreg $0xFFFFFFFF  }
0xc1: {  	_ =	task.clear_ibuf [dreg:s7], $0x2FFFF;
	_ =	strace $0x9FFFFFFF  }
0xc2: {  	(tm) =	ssettm $0x7FFFFFFF  }
0xc3: {  	_ =	shalt  }
tec
execute0_lowered:
.L_overlay_start_1:
0x0: {  	(tag) =	ssettag $0x1  }
0x1: {  	s0 =	rddreg [dreg:$0x0];
	s1 =	srdreg.scid  }
0x2: {  	s2 =	stileid.u32;
	s5 =	rddreg [dreg:$0x1];
	s8 =	simm.s32 $0x3  }
0x3: {  	s9 =	simm.s32 $0x3400;
	s10 =	simm.s32 $0x80;
	s11 =	simm.s32 $0x6800  }
0x4: {  	s12 =	simm.s32 $0x7800;
	s14 =	simm.s32 $0x8800;
	s16 =	simm.s32 $0x9800  }
0x5: {  	s17 =	simm.s32 $0x1;
	s21 =	simm.s32 $0x280;
	s22 =	simm.s32 $0xB800  }
0x6: {  	s23 =	simm.s32 $0x3500;
	s24 =	simm.s32 $0x300;
	s25 =	simm.s32 $0xC800  }
0x7: {  	s28 =	simm.s32 $0x380;
	s29 =	simm.s32 $0xD800;
	s30 =	simm.s32 $0x2  }
0x8: {  	s31 =	simm.s32 $0x0;
	s1 =	sand.u32 $0x1, s1;
	s3 =	sshll.u32 s2, $0x1  }
0x9: {  	s2 =	simm.s32 $0x0;
	s4 =	sadd.s32 $0x3ED800, s0;
	s3 =	sor.u32 s1, s3  }
0xa: {  	[smem:$0x7FF] =	sst s2;
	s1 =	ssub.s32 $0x2, s1;
	s6 =	smul.u32 $0x680, s3  }
0xb: {  	_ =	strace $0x80000047;
	s3 =	sadd.s32 $0xD800, s0;
	s26 =	sshrl.u32 s1, $0x1  }
0xc: {  	s7 =	sadd.s32 s6, s0;
	s0 =	ssub.s32 s1, s26;
	s5 =	sadd.s32 s5, s6  }
0xd: {  	s26 =	simm.s32 $0x3580;
	s6 =	sadd.s32 $0x800, s7;
	s7 =	smax.u32 s0, $0x1  }
.LBB2_1:
0xe: {  	[tilespmem:s2], [sflag:$0x3] =	stream.linear.gather [hbm4b:s5+s2], $0x3400, $0x38;
	[tilespmem:$0xE800] =	vst v63  }
0xf: {  	_ =	swait.ge [sflag:s8], $0x3400  }
0x10: {  	[sflag:s8] =	ssyncset.done $0x0  }
0x11: {  	[sflag:s8] =	ssyncadd.s32 $0xFFFFCC00  }
0x12: {  	[tilespmem:s9], [sflag:$0x3] =	stream.linear.gather [hbm4b:s6+s2], $0x3400, $0x38;
	[tilespmem:$0xE800] =	vst v63  }
0x13: {  	_ =	swait.ge [sflag:s8], $0x3400  }
0x14: {  	[sflag:s8] =	ssyncset.done $0x0  }
0x15: {  	[sflag:s8] =	ssyncadd.s32 $0xFFFFCC00  }
0x16: {  	[tilespmem:s11], [sflag:$0x1] =	stream.indirect.gather [hbm4b:s3+s10], $0x20, s2, s10, $0xb8;
	[tilespmem:$0xE800] =	vst v63  }
0x17: {  	_ = 	snop  }
0x18: {  	[tilespmem:s12], [sflag:$0x1] =	stream.indirect.gather [hbm4b:s3+s10], $0x20, s10, s10, $0xb8;
	[tilespmem:$0xE800] =	vst v63  }
0x19: {  	s0 =	simm.s32 $0x100  }
0x1a: {  	[tilespmem:s14], [sflag:$0x1] =	stream.indirect.gather [hbm4b:s3+s10], $0x20, s0, s10, $0xb8;
	[tilespmem:$0xE800] =	vst v63  }
0x1b: {  	s15 =	simm.s32 $0x180  }
0x1c: {  	[tilespmem:s16], [sflag:$0x1] =	stream.indirect.gather [hbm4b:s3+s10], $0x20, s15, s10, $0xb8;
	[tilespmem:$0xE800] =	vst v63  }
0x1d: {  	_ =	swait.ge [sflag:s17], $0x1000  }
0x1e: {  	[sflag:s17] =	ssyncset.done $0x0  }
0x1f: {  	[sflag:s17] =	ssyncadd.s32 $0xFFFFF000  }
0x20: {  	[hbm4b:s4+s10] =	stream.indirect.scatter [tilespmem:s11], [sflag:$0x2], $0x20, s9, s10, $0xb8;
	[tilespmem:$0xE800] =	vst v63  }
0x21: {  	s18 =	simm.s32 $0x200;
	s1 =	simm.s32 $0xA800  }
0x22: {  	[tilespmem:s1], [sflag:$0x1] =	stream.indirect.gather [hbm4b:s3+s10], $0x20, s18, s10, $0xb8;
	[tilespmem:$0xE800] =	vst v63  }
0x23: {  	_ =	swait.ge [sflag:s17], $0x1000  }
0x24: {  	[sflag:s17] =	ssyncset.done $0x0  }
0x25: {  	s19 =	simm.s32 $0x3480;
	[sflag:s17] =	ssyncadd.s32 $0xFFFFF000  }
0x26: {  	[hbm4b:s4+s10] =	stream.indirect.scatter [tilespmem:s12], [sflag:$0x2], $0x20, s19, s10, $0xb8;
	[tilespmem:$0xE800] =	vst v63  }
0x27: {  	_ = 	snop  }
0x28: {  	[tilespmem:s22], [sflag:$0x1] =	stream.indirect.gather [hbm4b:s3+s10], $0x20, s21, s10, $0xb8;
	[tilespmem:$0xE800] =	vst v63  }
0x29: {  	_ =	swait.ge [sflag:s17], $0x1000  }
0x2a: {  	[sflag:s17] =	ssyncset.done $0x0  }
0x2b: {  	[sflag:s17] =	ssyncadd.s32 $0xFFFFF000  }
0x2c: {  	[hbm4b:s4+s10] =	stream.indirect.scatter [tilespmem:s14], [sflag:$0x2], $0x20, s23, s10, $0xb8;
	[tilespmem:$0xE800] =	vst v63  }
0x2d: {  	_ = 	snop  }
0x2e: {  	[tilespmem:s25], [sflag:$0x1] =	stream.indirect.gather [hbm4b:s3+s10], $0x20, s24, s10, $0xb8;
	[tilespmem:$0xE800] =	vst v63  }
0x2f: {  	_ =	swait.ge [sflag:s17], $0x1000  }
0x30: {  	[sflag:s17] =	ssyncset.done $0x0  }
0x31: {  	s20 =	simm.s32 $0x10000;
	p0 =	por $0x0, $0x0;
	[sflag:s17] =	ssyncadd.s32 $0xFFFFF000  }
0x32: {  	[hbm4b:s4+s10] =	stream.indirect.scatter [tilespmem:s16], [sflag:$0x2], $0x20, s26, s10, $0xb8;
	[tilespmem:$0xE800] =	vst v63  }
0x33: {  	s13 =	sand.u32 $0x1C000, s20;
	s20 =	simm.s32 @!p0 $0x80  }
0x34: {  	[tilespmem:s29], [sflag:$0x1] =	stream.indirect.gather [hbm4b:s3+s10], $0x20, s28, s10, $0xb8;
	[tilespmem:$0xE800] =	vst v63  }
0x35: {  	s0 =	simm.s32 $0x24000;
	s15 =	simm.s32 $0x20000;
	_ =	swait.ge [sflag:s17], $0x1000  }
0x36: {  	s18 =	simm.s32 $0x3600;
	s19 =	sshrl.u32 s13, $0x2;
	[sflag:s17] =	ssyncset.done $0x0  }
0x37: {  	s1 =	simm.s32 $0x400;
	s19 =	sadd.s32 $0x6800, s19;
	[sflag:s17] =	ssyncadd.s32 $0xFFFFF000  }
0x38: {  	[hbm4b:s4+s10] =	stream.indirect.scatter [tilespmem:s19], [sflag:$0x2], $0x20, s18, s10, $0xb8;
	[tilespmem:$0xE800] =	vst v63  }
0x39: {  	s13 =	simm.s32 $0x480;
	s18 =	sand.u32 @!p0 $0x1C000, s15;
	_ =	swait.ge [sflag:s30], $0x1000  }
0x3a: {  	s15 =	simm.s32 $0x3680;
	s19 =	sshrl.u32 @!p0 s18, $0x2;
	[sflag:s30] =	ssyncset.done $0x0  }
0x3b: {  	s18 =	simm.s32 $0x5;
	s19 =	sadd.s32 @!p0 $0x6800, s19;
	[sflag:s30] =	ssyncadd.s32 $0xFFFFF000  }
.LBB2_2:
0x3c: {  	[tilespmem:s19], [sflag:$0x1] =	stream.indirect.gather @!p0 [hbm4b:s3+s20], $0x20, s1, s20, $0xb8;
	[tilespmem:$0xE800] =	vst v63  }
0x3d: {  	s19 =	smov.u32 s0;
	s1 =	smov.u32 s13  }
0x3e: {  	s0 =	sadd.s32 $0x4000, s0;
	s20 =	sadd.s32 $0xFFFF0000, s19;
	_ =	swait.ge [sflag:s17], $0x1000  }
0x3f: {  	p1 =	sne.s32 s0, $0x1B0000;
	s20 =	sand.u32 $0x1C000, s20;
	[sflag:s17] =	ssyncset.done $0x0  }
0x40: {  	s13 =	sadd.s32 $0x80, s13;
	s20 =	sshrl.u32 s20, $0x2;
	[sflag:s17] =	ssyncadd.s32 $0xFFFFF000  }
.Ltmp0:
0x41: {  	p0 =	sgt.u32 s18, $0x63;
	s20 =	sadd.s32 $0x6800, s20;
	(pc) =	sbr.rel @p1 .LBB2_2-.Ltmp0, $4  }
0x42: {  	[hbm4b:s4+s10] =	stream.indirect.scatter [tilespmem:s20], [sflag:$0x2], $0x20, s15, s10, $0xb8;
	[tilespmem:$0xE800] =	vst v63  }
0x43: {  	s19 =	sand.u32 @!p0 $0x1C000, s19;
	s15 =	sadd.s32 $0x80, s15;
	_ =	swait.ge [sflag:s30], $0x1000  }
0x44: {  	s18 =	sadd.s32 $0x1, s18;
	s19 =	sshrl.u32 @!p0 s19, $0x2;
	[sflag:s30] =	ssyncset.done $0x0  }
0x45: {  	s19 =	sadd.s32 @!p0 $0x6800, s19;
	s20 =	simm.s32 @!p0 $0x80;
	[sflag:s30] =	ssyncadd.s32 $0xFFFFF000  }
0x46: {  	[tilespmem:s19], [sflag:$0x1] =	stream.indirect.gather @!p0 [hbm4b:s3+s20], $0x20, s1, s20, $0xb8;
	[tilespmem:$0xE800] =	vst v63  }
0x47: {  	_ =	swait.ge [sflag:s30], $0x1000  }
0x48: {  	[sflag:s30] =	ssyncset.done $0x0  }
0x49: {  	[sflag:s30] =	ssyncadd.s32 $0xFFFFF000  }
0x4a: {  	_ =	swait.ge [sflag:s30], $0x1000  }
0x4b: {  	[sflag:s30] =	ssyncset.done $0x0  }
0x4c: {  	s31 =	sadd.s32 $0x1, s31;
	[sflag:s30] =	ssyncadd.s32 $0xFFFFF000  }
0x4d: {  	p0 =	sne.s32 s31, s7;
	_ =	swait.ge [sflag:s30], $0x1000  }
.Ltmp1:
0x4e: {  	[sflag:s30] =	ssyncset.done $0x0;
	(pc) =	sbr.rel @p0 .LBB2_1-.Ltmp1, $4  }
0x4f: {  	[sflag:s30] =	ssyncadd.s32 $0xFFFFF000  }
0x50: {  	_ =	swait.ge [sflag:s30], $0x1000  }
0x51: {  	[sflag:s30] =	ssyncset.done $0x0  }
0x52: {  	[sflag:s30] =	ssyncadd.s32 $0xFFFFF000  }
0x53: {  	_ =	sfence.sel $0x180000  }
0x54: {  	[bflag:$0x0] =	sbarrier.arrive $0xFFFF  }
0x55: {  	_ =	strace $0x90000047  }
0x56: {  	s0 =	stileid.u32;
	[bflag:$0x2] =	sbarrier.arrive $0xFFFF  }
0x57: {  	p0 =	sne.s32 s0, $0x0;
	s0 =	rddreg [dreg:$0x2]  }
0x58: {  	s0 =	sadd.s32 @!p0 $0x100000, s0  }
0x59: {  	[sflag:s0] =	ssyncadd.tile.s32 @!p0 $0x1;
	_ =	shalt  }
.Lfunc_end2:
_tile_overlayer_lowered:
.L_overlay_start_2:
0x5a: {  	(tag) =	ssettag $0x2  }
0x5b: {  	s0 =	rddreg [dreg:$0x0];
	s2 =	stileid.u32  }
0x5c: {  	s1 =	rddreg [dreg:$0x1];
	p0 =	sne.s32 s2, $0x0  }
0x5d: {  	s3 =	rddreg [dreg:$0x2];
	[bflag:$0x3] =	sbarrier.arrive $0xFFFF;
	s2 =	simm.s32 @!p0 $0x1C03  }
0x5e: {  	[timem:s3], [sflag:s2] =	dma.local @!p0 [hbm:s0], s1  }
0x5f: {  	s0 =	simm.s32 @!p0 $0x3  }
0x60: {  	_ =	swait.ge @!p0 [sflag:s0], s1  }
0x61: {  	s1 =	ssub.s32 @!p0 $0x0, s1;
	[sflag:s0] =	ssyncset.done @!p0 $0x0  }
0x62: {  	[sflag:s0] =	ssyncadd.s32 @!p0 s1  }
0x63: {  	[bflag:$0x3] =	sbarrier.arrive $0xFFFF  }
0x64: {  	_ =	shalt  }

// kernel: sparse-core-data-format-call.cloned.1.call-start
scs
called_computation_lowered:
.L_overlay_start_0:
0x0: {  	s2 =	sld [smem:$0x3FD9]  }
0x1: {  	s3 =	sld [smem:$0x3FFE];
	_ =	sdelay $0x1  }
0x2: {  	s1 =	srdreg.scid  }
0x3: {  	s0 =	sand.u32 $0x1, s1  }
0x4: {  	s18 =	sshll.u32 s0, $0xA;
	s2 =	sadd.s32 s3, s2  }
0x5: {  	s2 =	sadd.s32 s2, s18  }
0x6: {  	[smem:$0x3FC6] =	sst s2  }
0x7: {  	_ = 	snop  }
0x8: {  	s2 =	sld [smem:$0x3FD0];
	(tm) =	ssettm $0x1  }
0x9: {  	s19 =	sld [smem:$0x3FFB];
	_ =	sdelay $0x3  }
0xa: {  	_ =	strace s19  }
0xb: {  	s3 =	sld [smem:$0x3FFC];
	_ =	sdelay $0x3  }
0xc: {  	_ =	strace s3  }
0xd: {  	s3 =	sld [smem:$0x3FFD];
	_ =	sdelay $0x3  }
0xe: {  	_ =	strace s3  }
0xf: {  	_ =	strace $0x8FFFFFFF  }
0x10: {  	s20 =	sld [smem:$0x3FDB];
	_ =	sdelay $0x1  }
0x11: {  	s4 =	simm.s32 $_scs_section_size  }
0x12: {  	s5 =	simm.s32 $_size__tile_overlayer_lowered;
	s6 =	simm.s32 $_tile_overlayer_lowered  }
0x13: {  	s23 =	simm.s32 $0x1BFF;
	s22 =	sshll.u32 s6, $0x1;
	s3 =	sadd.s32 s4, s20  }
0x14: {  	s7 =	simm.s32 $0x0;
	s21 =	sshll.u32 s5, $0x1;
	s5 =	sadd.s32 s22, s3  }
0x15: {  	[timem:s7], [sflag:s23] =	dma.local [hbm:s5], s21  }
0x16: {  	_ =	swait.ge [sflag:s23], s21  }
0x17: {  	s4 =	ssub.s32 $0x0, s21;
	[sflag:s23] =	ssyncset.done $0x0  }
0x18: {  	[sflag:s23] =	ssyncadd.s32 s4;
	_ =	sdelay $0x1  }
0x19: {  	s24 =	simm.s32 $0x1B8B  }
0x1a: {  	_ =	swait.ge [sflag:s24], $0x1  }
0x1b: {  	[sflag:s24] =	ssyncset.done $0x0  }
0x1c: {  	s26 =	simm.s32 $0x1B8E;
	s25 =	sld [smem:$0x3FFE];
	[sflag:s24] =	ssyncadd.s32 $0xFFFFFFFF  }
0x1d: {  	s27 =	simm.s32 $execute0_lowered;
	[smem:$0x3FD2] =	sst s26  }
0x1e: {  	s5 =	sshll.u32 s27, $0x1;
	_ =	strace $0x80000049;
	[dreg:$0x1] =	wrdreg $0xFFFFFFFF  }
0x1f: {  	s28 =	simm.s32 $_size_execute0_lowered;
	s3 =	sadd.s32 s3, s5;
	[dreg:$0x0] =	wrdreg $0x0  }
0x20: {  	s5 =	sshll.u32 s28, $0x1;
	[dreg:$0x2] =	wrdreg s3  }
0x21: {  	[dreg:$0x3] =	wrdreg s5  }
0x22: {  	[dreg:$0x4] =	wrdreg $0xC0  }
0x23: {  	_ =	task [dreg:s7], $0x5FFFF  }
0x24: {  	[dreg:$0x1] =	wrdreg $0xFFFFFFFF  }
0x25: {  	[dreg:$0x0] =	wrdreg $0x60  }
0x26: {  	[dreg:$0x2] =	wrdreg s25  }
0x27: {  	[dreg:$0x3] =	wrdreg s2  }
0x28: {  	[dreg:$0x4] =	wrdreg $0x9  }
0x29: {  	_ =	task.clear_ibuf [dreg:s7], $0x5FFFF;
	_ =	strace $0x90000049  }
0x2a: {  	s29 =	simm.s32 $0x9;
	_ =	strace $0x8000004B  }
0x2b: {  	_ =	swait.ge [sflag:s29], $0x1  }
0x2c: {  	[sflag:s29] =	ssyncadd.s32 $0xFFFFFFFF  }
0x2d: {  	_ =	strace $0x9000004B  }
0x2e: {  	_ =	sfence  }
0x2f: {  	s30 =	sld [smem:$0x0];
	_ =	sdelay $0x2  }
0x30: {  	s31 =	sshll.u32 s1, $0xD;
	s1 =	sshrl.u32 s1, $0x2  }
0x31: {  	s3 =	sand.u32 $0x4000, s31;
	s1 =	sadd.s32 s1, s30  }
0x32: {  	s0 =	sor.u32 s3, s0;
	s1 =	sshll.u32 s1, $0x11  }
0x33: {  	s0 =	sor.u32 s1, s0  }
0x34: {  	s0 =	sadd.s32 $0x8F2B, s0  }
0x35: {  	[sflag:s0] =	ssyncadd.remote.s32 $0x1  }
0x36: {  	_ =	sfence.sel $0xFFFF  }
0x37: {  	[dreg:$0x0] =	wrdreg $0xFFFFFFFF;
	(pc) =	sbr.abs _section_cstart, $3  }
0x38: {  	[dreg:$0x1] =	wrdreg $0xFFFFFFFF  }
0x39: {  	_ =	task.clear_ibuf [dreg:s7], $0x2FFFF;
	_ =	strace $0x9FFFFFFF  }
0x3a: {  	(tm) =	ssettm $0x7FFFFFFF  }
0x3b: {  	_ =	shalt  }
tec
execute0_lowered:
.L_overlay_start_1:
0x0: {  	(tag) =	ssettag $0x1  }
0x1: {  	s0 =	srdreg.scid  }
0x2: {  	s1 =	sshll.u32 s0, $0x4  }
0x3: {  	s0 =	stileid.u32;
	s1 =	sand.u32 $0x10, s1  }
0x4: {  	s1 =	sor.u32 s0, s1  }
0x5: {  	s6 =	rddreg [dreg:$0x0];
	s4 =	simm.s32 $0x1;
	s2 =	sshll.u32 s1, $0x7  }
0x6: {  	s7 =	simm.s32 $0x2;
	s12 =	simm.s32 $0x0;
	s1 =	ssub.s32 $0x4000, s2  }
0x7: {  	s8 =	simm.s32 $0x20000;
	s13 =	simm.s32 $0x0;
	s3 =	sand.u32 $0xF80, s1  }
0x8: {  	s9 =	simm.s32 $0x0;
	s5 =	sshrl.u32 s1, $0xC;
	p0 =	sne.s32 s3, $0x0  }
.Ltmp0:
0x9: {  	s1 =	rddreg [dreg:$0x2];
	s4 =	simm.s32 @!p0 $0x0;
	(pc) =	sbr.rel .LBB1_1-.Ltmp0, $4  }
0xa: {  	s11 =	simm.s32 $0x0;
	s3 =	rddreg [dreg:$0x1];
	s5 =	sadd.s32 s4, s5  }
0xb: {  	_ =	strace $0x8000004A;
	s4 =	simm.s32 $0x1;
	s5 =	smul.u32 $0x1A, s5  }
0xc: {  	s6 =	sadd.s32 $0x3ED800, s6;
	s10 =	smov.u32 s2;
	[sflag:s4] =	ssyncpa.u1 $0x0  }
0xd: {  	p0 =	por $0x0, $0x0;
	[sflag:s7] =	ssyncpa.u1 $0x0;
	s7 =	sor.u32 $0x1, s5  }
.LBB1_4:
0xe: {  	s16 =	sshll.u32 s13, $0x3;
	s17 =	sand.u32 $0x78, s13  }
0xf: {  	s30 =	sand.u32 $0xF800, s13;
	s12 =	sshll.u32 s12, $0x10;
	s16 =	sand.u32 $0x3C00, s16  }
0x10: {  	s31 =	sand.u32 $0x7, s13;
	s16 =	sor.u32 s17, s16;
	s17 =	sadd.s32 s3, s30  }
0x11: {  	s13 =	sshll.u32 s31, $0x12;
	s16 =	sshrl.u32 s16, $0x3;
	s12 =	sadd.s32 s12, s17  }
0x12: {  	[tilespmem:s15+$0x0 ss:$0x81] =	vst.msk $0xffff, v0;
	s13 =	sor.u32 $0x400, s13;
	s12 =	sadd.s32 s16, s12  }
0x13: {  	[hbm4b:s12+s13] =	stream.strided.scatter [tilespmem:s14], [sflag:$0x2], $0x1000, s8, s13, $0x20;
	[tilespmem:$0x4040] =	vst v63  }
.LBB1_5:
0x14: {  	s14 =	sadd.s32 $0x1, s9  }
0x15: {  	s12 =	sadd.s32 $0x1000, s10;
	s16 =	smov.u32 s10;
	p2 =	sgt.s32 s14, $0x19  }
0x16: {  	s16 =	smov.u32 @p2 s12  }
0x17: {  	s14 =	simm.s32 @p2 $0x0;
	p2 =	sgt.s32 s16, $0x3FFF  }
0x18: {  	s16 =	smov.u32 @p2 s2;
	p2 =	sne.s32 s11, s7  }
.Ltmp1:
0x19: {  	p1 =	slt.u32 s11, $0x2;
	(pc) =	sbr.rel @!p2 .LBB1_6-.Ltmp1, $4  }
0x1a: {  	s15 =	simm.s32 @!p1 $0x2  }
0x1b: {  	s13 =	smov.u32 s10;
	p0 =	por !p0, !p0;
	_ =	swait.ge @!p1 [sflag:s15], $0x1000  }
0x1c: {  	s12 =	smov.u32 s9;
	[sflag:s15] =	ssyncset.done @!p1 $0x0;
	s9 =	smov.u32 s14  }
0x1d: {  	s11 =	sadd.s32 $0x1, s11;
	[sflag:s15] =	ssyncadd.s32 @!p1 $0xFFFFF000;
	s10 =	smov.u32 s16  }
.LBB1_1:
0x1e: {  	p1 =	sge.u32 s11, s5  }
0x1f: {  	s31 =	sadd.s32 $0xFFFFFFFF, s11;
	s14 =	sxor.u32 @!p1 $0xFFFFFFFF, s11  }
0x20: {  	s15 =	sshll.u32 @!p1 s10, $0x9;
	s16 =	sshll.u32 @!p1 s9, $0x4;
	s17 =	simm.s32 @!p1 $0x1000  }
0x21: {  	s14 =	sshll.u32 @!p1 s14, $0xC;
	s16 =	sand.u32 @!p1 $0x1F0, s16;
	s15 =	sadd.s32 @!p1 s6, s15  }
0x22: {  	s14 =	sand.u32 @!p1 $0x1000, s14;
	s15 =	sadd.s32 @!p1 s16, s15;
	s16 =	simm.s32 @!p1 $0x20  }
0x23: {  	[tilespmem:s14], [sflag:$0x1] =	stream.strided.gather @!p1 [hbm4b:s15+s16], $0x1000, s17, s16, $0x38;
	[tilespmem:$0x4040] =	vst v63  }
0x24: {  	p1 =	sge.u32 s31, s5  }
.Ltmp2:
0x25: {  	_ = 	snop;
	(pc) =	sbr.rel @p1 .LBB1_5-.Ltmp2, $1  }
0x26: {  	_ =	sdelay $0x3  }
0x27: {  	s14 =	simm.s32 $0x1  }
0x28: {  	_ =	swait.ge [sflag:s4], $0x1000;
	s14 =	simm.s32 @!p0 $0x0  }
0x29: {  	[sflag:s4] =	ssyncset.done $0x0;
	s15 =	sshll.u32 s14, $0xC  }
0x2a: {  	[sflag:s4] =	ssyncadd.s32 $0xFFFFF000;
	s18 =	sor.u32 $0x10, s15  }
0x2b: {  	s14 =	smul.u32 $0x4080, s14;
	v1 =	vld [tilespmem:s18+$0x0]  }
0x2c: {  	s30 =	sand.u32 $0x1, s11;
	v0 =	vld [tilespmem:s18+$0xFFFFFFF0]  }
0x2d: {  	s15 =	smul.u32 $0x4080, s30;
	s14 =	sshrl.u32 s14, $0x2  }
0x2e: {  	s16 =	sor.u32 $0x2000, s14  }
0x2f: {  	s31 =	sshrl.u32 s15, $0x2;
	s15 =	sadd.s32 $0x0, s16  }
0x30: {  	s17 =	simm.s32 $0x4;
	s18 =	sadd.s32 $0x20, s18;
	s14 =	sor.u32 $0x2000, s31;
	[tilespmem:s15+$0x810 ss:$0x81] =	vst.msk $0xffff, v1  }
.LBB1_3:
0x31: {  	v1 =	vld [tilespmem:s18+$0x0];
	p1 =	sne.s32 s17, $0x1FC;
	[tilespmem:s15+$0x0 ss:$0x81] =	vst.msk $0xffff, v0;
	s15 =	smov.u32 s17;
	s17 =	sadd.s32 $0x4, s17  }
.Ltmp3:
0x32: {  	v0 =	vld [tilespmem:s18+$0xFFFFFFF0];
	(pc) =	sbr.rel @p1 .LBB1_3-.Ltmp3, $4  }
0x33: {  	_ = 	snop  }
0x34: {  	s15 =	sshra.s32 s15, $0x2  }
0x35: {  	s15 =	sadd.s32 s15, s16  }
0x36: {  	s18 =	sadd.s32 $0x20, s18;
	[tilespmem:s15+$0x810 ss:$0x81] =	vst.msk $0xffff, v1  }
.Ltmp4:
0x37: {  	_ = 	snop;
	(pc) =	sbr.rel .LBB1_4-.Ltmp4, $1  }
0x38: {  	_ =	sdelay $0x3  }
.LBB1_6:
0x39: {  	_ =	sfence.sel $0x180000  }
0x3a: {  	s2 =	simm.s32 $0x1;
	[bflag:$0x0] =	sbarrier.arrive $0xFFFF  }
0x3b: {  	s31 =	simm.s32 $0x2;
	[sflag:s2] =	ssyncpa.u1 $0x1  }
0x3c: {  	[sflag:s31] =	ssyncpa.u1 $0x1  }
0x3d: {  	p0 =	sne.s32 s0, $0x0;
	_ =	strace $0x9000004A  }
0x3e: {  	s0 =	sadd.s32 @!p0 $0x100000, s1;
	[bflag:$0x2] =	sbarrier.arrive $0xFFFF  }
0x3f: {  	[sflag:s0] =	ssyncadd.tile.s32 @!p0 $0x1;
	_ =	shalt  }
.Lfunc_end1:
_tile_overlayer_lowered:
.L_overlay_start_2:
0x40: {  	(tag) =	ssettag $0x2  }
0x41: {  	s0 =	rddreg [dreg:$0x0];
	s2 =	stileid.u32  }
0x42: {  	s1 =	rddreg [dreg:$0x1];
	p0 =	sne.s32 s2, $0x0  }
0x43: {  	s3 =	rddreg [dreg:$0x2];
	[bflag:$0x3] =	sbarrier.arrive $0xFFFF;
	s2 =	simm.s32 @!p0 $0x1C01  }
0x44: {  	[timem:s3], [sflag:s2] =	dma.local @!p0 [hbm:s0], s1  }
0x45: {  	s0 =	simm.s32 @!p0 $0x1  }
0x46: {  	_ =	swait.ge @!p0 [sflag:s0], s1  }
0x47: {  	s1 =	ssub.s32 @!p0 $0x0, s1;
	[sflag:s0] =	ssyncset.done @!p0 $0x0  }
0x48: {  	[sflag:s0] =	ssyncadd.s32 @!p0 s1  }
0x49: {  	[bflag:$0x3] =	sbarrier.arrive $0xFFFF  }
0x4a: {  	_ =	shalt  }

</sc_bundles>
